<compile_context>
chip_gen: v7x
topology: tpu7x:2x2x1
jax: 0.10.2.dev20260603
libtpu: 0.0.44.dev20260713+nightly
codegen_flags: <defaults>
</compile_context>

<pallas_src>
import jax
import jax.numpy as jnp
from jax import lax
from jax.experimental import pallas as pl
from jax.experimental.pallas import tpu as pltpu
from jax.experimental.pallas import tpu_sc as plsc

D = 64
HIST = 50
NC = 2
NS = 16
NW = NC * NS
S = 128
G = 4


def _pool_body(idx_hbm, table_hbm, out_hbm, idx_v, acc_v, sem0, sem1):
  wid = lax.axis_index("s") * NC + lax.axis_index("c")
  g0 = wid * G
  pltpu.sync_copy(idx_hbm.at[:, pl.ds(g0, G), :], idx_v)
  first = [
      pltpu.async_copy(table_hbm.at[idx_v.at[0, g]], acc_v.at[g], sem0)
      for g in range(G)
  ]
  for cp in first:
    cp.wait()

  def issue(j, carry):
    for g in range(G):
      pltpu.async_copy(
          table_hbm.at[idx_v.at[j, g]], acc_v.at[g], sem1, add=True
      )
    return carry

  lax.fori_loop(1, HIST, issue, 0)

  def drain(i, carry):
    pltpu.make_async_copy(
        table_hbm.at[idx_v.at[0, 0]], acc_v.at[0], sem1
    ).wait()
    return carry

  lax.fori_loop(0, (HIST - 1) * G, drain, 0)

  pltpu.sync_copy(acc_v, out_hbm.at[pl.ds(g0, G)])


_pool_call = pl.kernel(
    _pool_body,
    out_type=jax.ShapeDtypeStruct((NW * G, S, D), jnp.float32),
    mesh=plsc.VectorSubcoreMesh(core_axis_name="c", subcore_axis_name="s"),
    scratch_types=[
        pltpu.VMEM((HIST, G, S), jnp.int32),
        pltpu.VMEM((G, S, D), jnp.float32),
        pltpu.SemaphoreType.DMA,
        pltpu.SemaphoreType.DMA,
    ],
    compiler_params=pltpu.CompilerParams(use_tc_tiling_on_sc=False),
)


_V = 1000000
_W = 32768
_H = _W // 2
_NB = (_V + _W - 1) // _W


def _detile_body(a_ref, o_ref):
  x = a_ref[...]
  o_ref[...] = jnp.concatenate([x[:, :_H], x[:, _H:]], axis=0).T


def _detile(table_t):
  return pl.pallas_call(
      _detile_body,
      grid=(_NB,),
      in_specs=[pl.BlockSpec((64, _W), lambda i: (0, i))],
      out_specs=pl.BlockSpec((_H, 128), lambda i: (i, 0)),
      out_shape=jax.ShapeDtypeStruct((_NB * _H, 128), jnp.float32),
  )(table_t)


def _mlp_body(x_ref, w1t_ref, b1_ref, w2_ref, b2_ref, o_ref):
  x = x_ref[...] * (1.0 / HIST)
  h = jnp.dot(x, w1t_ref[...], preferred_element_type=jnp.float32)
  h = jnp.maximum(h + b1_ref[...], 0.0)
  z = jnp.sum(h * w2_ref[...], axis=1, keepdims=True) + b2_ref[0, 0]
  o_ref[...] = 1.0 / (1.0 + jnp.exp(-z))


@jax.jit
def kernel(tag_idxs, table, W1, b1, W2, b2):
  batch = tag_idxs.shape[0]
  lin = _detile(table.T).reshape(2 * _NB * _H, D)
  t = tag_idxs.astype(jnp.int32)
  r = t & (_W - 1)
  t = (t - r) + ((r & (_H - 1)) << 1) + (r >> (_H.bit_length() - 1))
  idx3 = t.T.reshape(HIST, NW * G, S)
  pooled = _pool_call(idx3, lin).reshape(batch, D)
  out = pl.pallas_call(
      _mlp_body,
      out_shape=jax.ShapeDtypeStruct((batch, 1), jnp.float32),
  )(pooled, W1.T, b1.reshape(1, D), W2, b2.reshape(1, 1))
  return out

# --- scband reference (transcript-rebuilt; emitter-appended) ---
"""Pipeline reference for scband-similar-items-model-26998164423094 (READ-ONLY COPY).

The authoritative reference and input builder live on the scoring server;
editing this copy changes nothing except your own understanding.
"""

import jax, jax.numpy as jnp
import numpy as np

NUM_TAGS = 1000000
EMBED_DIM = 64
BATCH = 16384
HIST = 50

def setup_inputs(seed: int = 0) -> dict:
    key = jax.random.key(seed)
    k1, k2, k3, k4, k5, k6 = jax.random.split(key, 6)
    tag_idxs = jax.random.randint(k1, (BATCH, HIST), 0, NUM_TAGS, dtype=jnp.int64 if jax.config.jax_enable_x64 else jnp.int32)
    table = jax.random.normal(k2, (NUM_TAGS, EMBED_DIM), dtype=jnp.float32)
    W1 = jax.random.normal(k3, (64, EMBED_DIM), dtype=jnp.float32) * (1.0 / np.sqrt(EMBED_DIM))
    b1 = jax.random.normal(k4, (64,), dtype=jnp.float32) * 0.01
    W2 = jax.random.normal(k5, (1, 64), dtype=jnp.float32) * (1.0 / np.sqrt(64))
    b2 = jax.random.normal(k6, (1,), dtype=jnp.float32) * 0.01
    return {"tag_idxs": tag_idxs, "table": table, "W1": W1, "b1": b1, "W2": W2, "b2": b2}

def reference(tag_idxs, table, W1, b1, W2, b2):
    # embedding lookup: [B, L, D]
    embeddings = jnp.take(table, tag_idxs, axis=0)
    # mean over sequence dim
    avg_embedding = jnp.mean(embeddings, axis=1)
    hidden = jax.nn.relu(avg_embedding @ W1.T + b1)
    out = jax.nn.sigmoid(hidden @ W2.T + b2)
    return out

if __name__ == "__main__":
    import jax
    _d = setup_inputs()
    print(jax.jit(kernel)(*tuple(_d.values())))

</pallas_src>

<mosaic_0001>
#map = affine_map<(d0, d1) -> (0, 0, 0)>
#map1 = affine_map<(d0, d1) -> (0, 0)>
module attributes {stable_mosaic.version = 14 : i64} {
  func.func @_pool_body(%arg0: i32, %arg1: i32, %arg2: memref<50x128x128xi32, #tpu.memory_space<hbm>>, %arg3: memref<1015808x64xf32, #tpu.memory_space<hbm>>, %arg4: memref<128x128x64xf32, #tpu.memory_space<hbm>>, %arg5: memref<50x4x128xi32, #tpu.memory_space<vmem>>, %arg6: memref<4x128x64xf32, #tpu.memory_space<vmem>>, %arg7: memref<!tpu.dma_semaphore, #tpu.memory_space<semaphore_mem>>, %arg8: memref<!tpu.dma_semaphore, #tpu.memory_space<semaphore_mem>>) attributes {dimension_semantics = [#tpu.dimension_semantics<core_parallel>, #tpu.dimension_semantics<subcore_parallel>], iteration_bounds = array<i64: 2, 16>, scalar_prefetch = 0 : i64, scratch_operands = 4 : i64, tpu.core_type = #tpu.core_type<sc_vector_subcore>, window_params = [{transform_indices = #map}, {transform_indices = #map1}, {transform_indices = #map}]} {
    %mul3A = arith.constant 2 : i32
    %mul3A_0 = arith.muli %arg1, %mul3A : i32
    %add3A = arith.addi %mul3A_0, %arg0 : i32
    %mul3A_1 = arith.constant 4 : i32
    %mul3A_2 = arith.muli %add3A, %mul3A_1 : i32
    "tpu.region"() ({
      %run_scoped3A = tpu.sem_alloc : memref<!tpu.dma_semaphore, #tpu.memory_space<semaphore_mem>>
      %dma_start3A_116 = arith.constant 0 : i32
      %dma_start3A_117 = arith.constant 0 : i32
      %dma_start3A_118 = tpu.memref_slice %arg2[%dma_start3A_116, %mul3A_2, %dma_start3A_117] : memref<50x128x128xi32, #tpu.memory_space<hbm>> -> memref<50x4x128xi32, #tpu.memory_space<hbm>>
      %dma_start3A_119 = arith.constant 0 : i32
      %dma_start3A_120 = arith.constant 0 : i32
      %dma_start3A_121 = tpu.memref_slice %arg2[%dma_start3A_119, %mul3A_2, %dma_start3A_120] : memref<50x128x128xi32, #tpu.memory_space<hbm>> -> memref<50x4x128xi32, #tpu.memory_space<hbm>>
      tpu.enqueue_dma source(%dma_start3A_121 : memref<50x4x128xi32, #tpu.memory_space<hbm>>) target(%arg5 : memref<50x4x128xi32, #tpu.memory_space<vmem>>) target_semaphore(%run_scoped3A : memref<!tpu.dma_semaphore, #tpu.memory_space<semaphore_mem>>)
      %dma_wait3A_122 = arith.constant 0 : i32
      %dma_wait3A_123 = arith.constant 0 : i32
      %dma_wait3A_124 = tpu.memref_slice %arg2[%dma_wait3A_122, %mul3A_2, %dma_wait3A_123] : memref<50x128x128xi32, #tpu.memory_space<hbm>> -> memref<50x4x128xi32, #tpu.memory_space<hbm>>
      %dma_wait3A_125 = arith.constant 0 : i32
      %dma_wait3A_126 = arith.constant 0 : i32
      %dma_wait3A_127 = tpu.memref_slice %arg2[%dma_wait3A_125, %mul3A_2, %dma_wait3A_126] : memref<50x128x128xi32, #tpu.memory_space<hbm>> -> memref<50x4x128xi32, #tpu.memory_space<hbm>>
      tpu.wait_dma2 semaphore(%run_scoped3A : memref<!tpu.dma_semaphore, #tpu.memory_space<semaphore_mem>>) src(%dma_wait3A_127 : memref<50x4x128xi32, #tpu.memory_space<hbm>>) dst(%arg5 : memref<50x4x128xi32, #tpu.memory_space<vmem>>)
      tpu.yield
    }) : () -> ()
    %dma_start3A = arith.constant 0 : i32
    %dma_start3A_3 = arith.constant 0 : i32
    %dma_start3A_4 = arith.constant 0 : i32
    %dma_start3A_5 = arith.constant 0 : i32
    %dma_start3A_6 = arith.constant 0 : i32
    %dma_start3A_7 = tpu.memref_slice %arg6[%dma_start3A_4, %dma_start3A_5, %dma_start3A_6] : memref<4x128x64xf32, #tpu.memory_space<vmem>> -> memref<1x128x64xf32, #tpu.memory_space<vmem>>
    %dma_start3A_8 = tpu.memref_squeeze %dma_start3A_7 : memref<1x128x64xf32, #tpu.memory_space<vmem>> -> memref<128x64xf32, #tpu.memory_space<vmem>>
    %dma_start3A_9 = arith.constant 0 : i32
    %dma_start3A_10 = tpu.memref_slice %arg5[%dma_start3A, %dma_start3A_3, %dma_start3A_9] : memref<50x4x128xi32, #tpu.memory_space<vmem>> -> memref<1x1x128xi32, #tpu.memory_space<vmem>>
    %dma_start3A_11 = tpu.memref_squeeze %dma_start3A_10 : memref<1x1x128xi32, #tpu.memory_space<vmem>> -> memref<128xi32, #tpu.memory_space<vmem>>
    %dma_start3A_12 = arith.constant 0 : i32
    %dma_start3A_13 = arith.constant 0 : i32
    %dma_start3A_14 = tpu.memref_slice %arg3[%dma_start3A_12, %dma_start3A_13] : memref<1015808x64xf32, #tpu.memory_space<hbm>> -> memref<1015808x64xf32, #tpu.memory_space<hbm>>
    tpu.enqueue_indirect_dma source(%dma_start3A_14 : memref<1015808x64xf32, #tpu.memory_space<hbm>>) target(%dma_start3A_8 : memref<128x64xf32, #tpu.memory_space<vmem>>) offsets(%dma_start3A_11 : memref<128xi32, #tpu.memory_space<vmem>>) semaphore(%arg7 : memref<!tpu.dma_semaphore, #tpu.memory_space<semaphore_mem>>)
    %dma_start3A_15 = arith.constant 0 : i32
    %dma_start3A_16 = arith.constant 1 : i32
    %dma_start3A_17 = arith.constant 1 : i32
    %dma_start3A_18 = arith.constant 0 : i32
    %dma_start3A_19 = arith.constant 0 : i32
    %dma_start3A_20 = tpu.memref_slice %arg6[%dma_start3A_17, %dma_start3A_18, %dma_start3A_19] : memref<4x128x64xf32, #tpu.memory_space<vmem>> -> memref<1x128x64xf32, #tpu.memory_space<vmem>>
    %dma_start3A_21 = tpu.memref_squeeze %dma_start3A_20 : memref<1x128x64xf32, #tpu.memory_space<vmem>> -> memref<128x64xf32, #tpu.memory_space<vmem>>
    %dma_start3A_22 = arith.constant 0 : i32
    %dma_start3A_23 = tpu.memref_slice %arg5[%dma_start3A_15, %dma_start3A_16, %dma_start3A_22] : memref<50x4x128xi32, #tpu.memory_space<vmem>> -> memref<1x1x128xi32, #tpu.memory_space<vmem>>
    %dma_start3A_24 = tpu.memref_squeeze %dma_start3A_23 : memref<1x1x128xi32, #tpu.memory_space<vmem>> -> memref<128xi32, #tpu.memory_space<vmem>>
    %dma_start3A_25 = arith.constant 0 : i32
    %dma_start3A_26 = arith.constant 0 : i32
    %dma_start3A_27 = tpu.memref_slice %arg3[%dma_start3A_25, %dma_start3A_26] : memref<1015808x64xf32, #tpu.memory_space<hbm>> -> memref<1015808x64xf32, #tpu.memory_space<hbm>>
    tpu.enqueue_indirect_dma source(%dma_start3A_27 : memref<1015808x64xf32, #tpu.memory_space<hbm>>) target(%dma_start3A_21 : memref<128x64xf32, #tpu.memory_space<vmem>>) offsets(%dma_start3A_24 : memref<128xi32, #tpu.memory_space<vmem>>) semaphore(%arg7 : memref<!tpu.dma_semaphore, #tpu.memory_space<semaphore_mem>>)
    %dma_start3A_28 = arith.constant 0 : i32
    %dma_start3A_29 = arith.constant 2 : i32
    %dma_start3A_30 = arith.constant 2 : i32
    %dma_start3A_31 = arith.constant 0 : i32
    %dma_start3A_32 = arith.constant 0 : i32
    %dma_start3A_33 = tpu.memref_slice %arg6[%dma_start3A_30, %dma_start3A_31, %dma_start3A_32] : memref<4x128x64xf32, #tpu.memory_space<vmem>> -> memref<1x128x64xf32, #tpu.memory_space<vmem>>
    %dma_start3A_34 = tpu.memref_squeeze %dma_start3A_33 : memref<1x128x64xf32, #tpu.memory_space<vmem>> -> memref<128x64xf32, #tpu.memory_space<vmem>>
    %dma_start3A_35 = arith.constant 0 : i32
    %dma_start3A_36 = tpu.memref_slice %arg5[%dma_start3A_28, %dma_start3A_29, %dma_start3A_35] : memref<50x4x128xi32, #tpu.memory_space<vmem>> -> memref<1x1x128xi32, #tpu.memory_space<vmem>>
    %dma_start3A_37 = tpu.memref_squeeze %dma_start3A_36 : memref<1x1x128xi32, #tpu.memory_space<vmem>> -> memref<128xi32, #tpu.memory_space<vmem>>
    %dma_start3A_38 = arith.constant 0 : i32
    %dma_start3A_39 = arith.constant 0 : i32
    %dma_start3A_40 = tpu.memref_slice %arg3[%dma_start3A_38, %dma_start3A_39] : memref<1015808x64xf32, #tpu.memory_space<hbm>> -> memref<1015808x64xf32, #tpu.memory_space<hbm>>
    tpu.enqueue_indirect_dma source(%dma_start3A_40 : memref<1015808x64xf32, #tpu.memory_space<hbm>>) target(%dma_start3A_34 : memref<128x64xf32, #tpu.memory_space<vmem>>) offsets(%dma_start3A_37 : memref<128xi32, #tpu.memory_space<vmem>>) semaphore(%arg7 : memref<!tpu.dma_semaphore, #tpu.memory_space<semaphore_mem>>)
    %dma_start3A_41 = arith.constant 0 : i32
    %dma_start3A_42 = arith.constant 3 : i32
    %dma_start3A_43 = arith.constant 3 : i32
    %dma_start3A_44 = arith.constant 0 : i32
    %dma_start3A_45 = arith.constant 0 : i32
    %dma_start3A_46 = tpu.memref_slice %arg6[%dma_start3A_43, %dma_start3A_44, %dma_start3A_45] : memref<4x128x64xf32, #tpu.memory_space<vmem>> -> memref<1x128x64xf32, #tpu.memory_space<vmem>>
    %dma_start3A_47 = tpu.memref_squeeze %dma_start3A_46 : memref<1x128x64xf32, #tpu.memory_space<vmem>> -> memref<128x64xf32, #tpu.memory_space<vmem>>
    %dma_start3A_48 = arith.constant 0 : i32
    %dma_start3A_49 = tpu.memref_slice %arg5[%dma_start3A_41, %dma_start3A_42, %dma_start3A_48] : memref<50x4x128xi32, #tpu.memory_space<vmem>> -> memref<1x1x128xi32, #tpu.memory_space<vmem>>
    %dma_start3A_50 = tpu.memref_squeeze %dma_start3A_49 : memref<1x1x128xi32, #tpu.memory_space<vmem>> -> memref<128xi32, #tpu.memory_space<vmem>>
    %dma_start3A_51 = arith.constant 0 : i32
    %dma_start3A_52 = arith.constant 0 : i32
    %dma_start3A_53 = tpu.memref_slice %arg3[%dma_start3A_51, %dma_start3A_52] : memref<1015808x64xf32, #tpu.memory_space<hbm>> -> memref<1015808x64xf32, #tpu.memory_space<hbm>>
    tpu.enqueue_indirect_dma source(%dma_start3A_53 : memref<1015808x64xf32, #tpu.memory_space<hbm>>) target(%dma_start3A_47 : memref<128x64xf32, #tpu.memory_space<vmem>>) offsets(%dma_start3A_50 : memref<128xi32, #tpu.memory_space<vmem>>) semaphore(%arg7 : memref<!tpu.dma_semaphore, #tpu.memory_space<semaphore_mem>>)
    %dma_wait3A = arith.constant 0 : i32
    %dma_wait3A_54 = arith.constant 0 : i32
    %dma_wait3A_55 = arith.constant 0 : i32
    %dma_wait3A_56 = arith.constant 0 : i32
    %dma_wait3A_57 = arith.constant 0 : i32
    %dma_wait3A_58 = tpu.memref_slice %arg6[%dma_wait3A_55, %dma_wait3A_56, %dma_wait3A_57] : memref<4x128x64xf32, #tpu.memory_space<vmem>> -> memref<1x128x64xf32, #tpu.memory_space<vmem>>
    %dma_wait3A_59 = tpu.memref_squeeze %dma_wait3A_58 : memref<1x128x64xf32, #tpu.memory_space<vmem>> -> memref<128x64xf32, #tpu.memory_space<vmem>>
    %dma_wait3A_60 = arith.constant 0 : i32
    %dma_wait3A_61 = tpu.memref_slice %arg5[%dma_wait3A, %dma_wait3A_54, %dma_wait3A_60] : memref<50x4x128xi32, #tpu.memory_space<vmem>> -> memref<1x1x128xi32, #tpu.memory_space<vmem>>
    %dma_wait3A_62 = tpu.memref_squeeze %dma_wait3A_61 : memref<1x1x128xi32, #tpu.memory_space<vmem>> -> memref<128xi32, #tpu.memory_space<vmem>>
    %dma_wait3A_63 = arith.constant 0 : i32
    %dma_wait3A_64 = arith.constant 0 : i32
    %dma_wait3A_65 = tpu.memref_slice %arg3[%dma_wait3A_63, %dma_wait3A_64] : memref<1015808x64xf32, #tpu.memory_space<hbm>> -> memref<1015808x64xf32, #tpu.memory_space<hbm>>
    tpu.wait_indirect_dma semaphore(%arg7 : memref<!tpu.dma_semaphore, #tpu.memory_space<semaphore_mem>>) src(%dma_wait3A_65 : memref<1015808x64xf32, #tpu.memory_space<hbm>>) dst(%dma_wait3A_59 : memref<128x64xf32, #tpu.memory_space<vmem>>)
    %dma_wait3A_66 = arith.constant 0 : i32
    %dma_wait3A_67 = arith.constant 1 : i32
    %dma_wait3A_68 = arith.constant 1 : i32
    %dma_wait3A_69 = arith.constant 0 : i32
    %dma_wait3A_70 = arith.constant 0 : i32
    %dma_wait3A_71 = tpu.memref_slice %arg6[%dma_wait3A_68, %dma_wait3A_69, %dma_wait3A_70] : memref<4x128x64xf32, #tpu.memory_space<vmem>> -> memref<1x128x64xf32, #tpu.memory_space<vmem>>
    %dma_wait3A_72 = tpu.memref_squeeze %dma_wait3A_71 : memref<1x128x64xf32, #tpu.memory_space<vmem>> -> memref<128x64xf32, #tpu.memory_space<vmem>>
    %dma_wait3A_73 = arith.constant 0 : i32
    %dma_wait3A_74 = tpu.memref_slice %arg5[%dma_wait3A_66, %dma_wait3A_67, %dma_wait3A_73] : memref<50x4x128xi32, #tpu.memory_space<vmem>> -> memref<1x1x128xi32, #tpu.memory_space<vmem>>
    %dma_wait3A_75 = tpu.memref_squeeze %dma_wait3A_74 : memref<1x1x128xi32, #tpu.memory_space<vmem>> -> memref<128xi32, #tpu.memory_space<vmem>>
    %dma_wait3A_76 = arith.constant 0 : i32
    %dma_wait3A_77 = arith.constant 0 : i32
    %dma_wait3A_78 = tpu.memref_slice %arg3[%dma_wait3A_76, %dma_wait3A_77] : memref<1015808x64xf32, #tpu.memory_space<hbm>> -> memref<1015808x64xf32, #tpu.memory_space<hbm>>
    tpu.wait_indirect_dma semaphore(%arg7 : memref<!tpu.dma_semaphore, #tpu.memory_space<semaphore_mem>>) src(%dma_wait3A_78 : memref<1015808x64xf32, #tpu.memory_space<hbm>>) dst(%dma_wait3A_72 : memref<128x64xf32, #tpu.memory_space<vmem>>)
    %dma_wait3A_79 = arith.constant 0 : i32
    %dma_wait3A_80 = arith.constant 2 : i32
    %dma_wait3A_81 = arith.constant 2 : i32
    %dma_wait3A_82 = arith.constant 0 : i32
    %dma_wait3A_83 = arith.constant 0 : i32
    %dma_wait3A_84 = tpu.memref_slice %arg6[%dma_wait3A_81, %dma_wait3A_82, %dma_wait3A_83] : memref<4x128x64xf32, #tpu.memory_space<vmem>> -> memref<1x128x64xf32, #tpu.memory_space<vmem>>
    %dma_wait3A_85 = tpu.memref_squeeze %dma_wait3A_84 : memref<1x128x64xf32, #tpu.memory_space<vmem>> -> memref<128x64xf32, #tpu.memory_space<vmem>>
    %dma_wait3A_86 = arith.constant 0 : i32
    %dma_wait3A_87 = tpu.memref_slice %arg5[%dma_wait3A_79, %dma_wait3A_80, %dma_wait3A_86] : memref<50x4x128xi32, #tpu.memory_space<vmem>> -> memref<1x1x128xi32, #tpu.memory_space<vmem>>
    %dma_wait3A_88 = tpu.memref_squeeze %dma_wait3A_87 : memref<1x1x128xi32, #tpu.memory_space<vmem>> -> memref<128xi32, #tpu.memory_space<vmem>>
    %dma_wait3A_89 = arith.constant 0 : i32
    %dma_wait3A_90 = arith.constant 0 : i32
    %dma_wait3A_91 = tpu.memref_slice %arg3[%dma_wait3A_89, %dma_wait3A_90] : memref<1015808x64xf32, #tpu.memory_space<hbm>> -> memref<1015808x64xf32, #tpu.memory_space<hbm>>
    tpu.wait_indirect_dma semaphore(%arg7 : memref<!tpu.dma_semaphore, #tpu.memory_space<semaphore_mem>>) src(%dma_wait3A_91 : memref<1015808x64xf32, #tpu.memory_space<hbm>>) dst(%dma_wait3A_85 : memref<128x64xf32, #tpu.memory_space<vmem>>)
    %dma_wait3A_92 = arith.constant 0 : i32
    %dma_wait3A_93 = arith.constant 3 : i32
    %dma_wait3A_94 = arith.constant 3 : i32
    %dma_wait3A_95 = arith.constant 0 : i32
    %dma_wait3A_96 = arith.constant 0 : i32
    %dma_wait3A_97 = tpu.memref_slice %arg6[%dma_wait3A_94, %dma_wait3A_95, %dma_wait3A_96] : memref<4x128x64xf32, #tpu.memory_space<vmem>> -> memref<1x128x64xf32, #tpu.memory_space<vmem>>
    %dma_wait3A_98 = tpu.memref_squeeze %dma_wait3A_97 : memref<1x128x64xf32, #tpu.memory_space<vmem>> -> memref<128x64xf32, #tpu.memory_space<vmem>>
    %dma_wait3A_99 = arith.constant 0 : i32
    %dma_wait3A_100 = tpu.memref_slice %arg5[%dma_wait3A_92, %dma_wait3A_93, %dma_wait3A_99] : memref<50x4x128xi32, #tpu.memory_space<vmem>> -> memref<1x1x128xi32, #tpu.memory_space<vmem>>
    %dma_wait3A_101 = tpu.memref_squeeze %dma_wait3A_100 : memref<1x1x128xi32, #tpu.memory_space<vmem>> -> memref<128xi32, #tpu.memory_space<vmem>>
    %dma_wait3A_102 = arith.constant 0 : i32
    %dma_wait3A_103 = arith.constant 0 : i32
    %dma_wait3A_104 = tpu.memref_slice %arg3[%dma_wait3A_102, %dma_wait3A_103] : memref<1015808x64xf32, #tpu.memory_space<hbm>> -> memref<1015808x64xf32, #tpu.memory_space<hbm>>
    tpu.wait_indirect_dma semaphore(%arg7 : memref<!tpu.dma_semaphore, #tpu.memory_space<semaphore_mem>>) src(%dma_wait3A_104 : memref<1015808x64xf32, #tpu.memory_space<hbm>>) dst(%dma_wait3A_98 : memref<128x64xf32, #tpu.memory_space<vmem>>)
    %scan3A = arith.constant 0 : i32
    %scan3A_105 = arith.constant 1 : i32
    %scan3A_106 = arith.constant 49 : i32
    %scan3A_107 = arith.addi %scan3A_105, %scan3A_106 : i32
    %scan3A_108 = arith.constant 1 : i32
    scf.for %scan3A_116 = %scan3A_105 to %scan3A_107 step %scan3A_108  : i32 {
      %dma_start3A_117 = arith.constant 0 : i32
      %dma_start3A_118 = arith.constant 0 : i32
      %dma_start3A_119 = arith.constant 0 : i32
      %dma_start3A_120 = arith.constant 0 : i32
      %dma_start3A_121 = tpu.memref_slice %arg6[%dma_start3A_118, %dma_start3A_119, %dma_start3A_120] : memref<4x128x64xf32, #tpu.memory_space<vmem>> -> memref<1x128x64xf32, #tpu.memory_space<vmem>>
      %dma_start3A_122 = tpu.memref_squeeze %dma_start3A_121 : memref<1x128x64xf32, #tpu.memory_space<vmem>> -> memref<128x64xf32, #tpu.memory_space<vmem>>
      %dma_start3A_123 = arith.constant 0 : i32
      %dma_start3A_124 = tpu.memref_slice %arg5[%scan3A_116, %dma_start3A_117, %dma_start3A_123] : memref<50x4x128xi32, #tpu.memory_space<vmem>> -> memref<1x1x128xi32, #tpu.memory_space<vmem>>
      %dma_start3A_125 = tpu.memref_squeeze %dma_start3A_124 : memref<1x1x128xi32, #tpu.memory_space<vmem>> -> memref<128xi32, #tpu.memory_space<vmem>>
      %dma_start3A_126 = arith.constant 0 : i32
      %dma_start3A_127 = arith.constant 0 : i32
      %dma_start3A_128 = tpu.memref_slice %arg3[%dma_start3A_126, %dma_start3A_127] : memref<1015808x64xf32, #tpu.memory_space<hbm>> -> memref<1015808x64xf32, #tpu.memory_space<hbm>>
      tpu.enqueue_indirect_dma source(%dma_start3A_128 : memref<1015808x64xf32, #tpu.memory_space<hbm>>) target(%dma_start3A_122 : memref<128x64xf32, #tpu.memory_space<vmem>>) offsets(%dma_start3A_125 : memref<128xi32, #tpu.memory_space<vmem>>) semaphore(%arg8 : memref<!tpu.dma_semaphore, #tpu.memory_space<semaphore_mem>>) {add = true}
      %dma_start3A_129 = arith.constant 1 : i32
      %dma_start3A_130 = arith.constant 1 : i32
      %dma_start3A_131 = arith.constant 0 : i32
      %dma_start3A_132 = arith.constant 0 : i32
      %dma_start3A_133 = tpu.memref_slice %arg6[%dma_start3A_130, %dma_start3A_131, %dma_start3A_132] : memref<4x128x64xf32, #tpu.memory_space<vmem>> -> memref<1x128x64xf32, #tpu.memory_space<vmem>>
      %dma_start3A_134 = tpu.memref_squeeze %dma_start3A_133 : memref<1x128x64xf32, #tpu.memory_space<vmem>> -> memref<128x64xf32, #tpu.memory_space<vmem>>
      %dma_start3A_135 = arith.constant 0 : i32
      %dma_start3A_136 = tpu.memref_slice %arg5[%scan3A_116, %dma_start3A_129, %dma_start3A_135] : memref<50x4x128xi32, #tpu.memory_space<vmem>> -> memref<1x1x128xi32, #tpu.memory_space<vmem>>
      %dma_start3A_137 = tpu.memref_squeeze %dma_start3A_136 : memref<1x1x128xi32, #tpu.memory_space<vmem>> -> memref<128xi32, #tpu.memory_space<vmem>>
      %dma_start3A_138 = arith.constant 0 : i32
      %dma_start3A_139 = arith.constant 0 : i32
      %dma_start3A_140 = tpu.memref_slice %arg3[%dma_start3A_138, %dma_start3A_139] : memref<1015808x64xf32, #tpu.memory_space<hbm>> -> memref<1015808x64xf32, #tpu.memory_space<hbm>>
      tpu.enqueue_indirect_dma source(%dma_start3A_140 : memref<1015808x64xf32, #tpu.memory_space<hbm>>) target(%dma_start3A_134 : memref<128x64xf32, #tpu.memory_space<vmem>>) offsets(%dma_start3A_137 : memref<128xi32, #tpu.memory_space<vmem>>) semaphore(%arg8 : memref<!tpu.dma_semaphore, #tpu.memory_space<semaphore_mem>>) {add = true}
      %dma_start3A_141 = arith.constant 2 : i32
      %dma_start3A_142 = arith.constant 2 : i32
      %dma_start3A_143 = arith.constant 0 : i32
      %dma_start3A_144 = arith.constant 0 : i32
      %dma_start3A_145 = tpu.memref_slice %arg6[%dma_start3A_142, %dma_start3A_143, %dma_start3A_144] : memref<4x128x64xf32, #tpu.memory_space<vmem>> -> memref<1x128x64xf32, #tpu.memory_space<vmem>>
      %dma_start3A_146 = tpu.memref_squeeze %dma_start3A_145 : memref<1x128x64xf32, #tpu.memory_space<vmem>> -> memref<128x64xf32, #tpu.memory_space<vmem>>
      %dma_start3A_147 = arith.constant 0 : i32
      %dma_start3A_148 = tpu.memref_slice %arg5[%scan3A_116, %dma_start3A_141, %dma_start3A_147] : memref<50x4x128xi32, #tpu.memory_space<vmem>> -> memref<1x1x128xi32, #tpu.memory_space<vmem>>
      %dma_start3A_149 = tpu.memref_squeeze %dma_start3A_148 : memref<1x1x128xi32, #tpu.memory_space<vmem>> -> memref<128xi32, #tpu.memory_space<vmem>>
      %dma_start3A_150 = arith.constant 0 : i32
      %dma_start3A_151 = arith.constant 0 : i32
      %dma_start3A_152 = tpu.memref_slice %arg3[%dma_start3A_150, %dma_start3A_151] : memref<1015808x64xf32, #tpu.memory_space<hbm>> -> memref<1015808x64xf32, #tpu.memory_space<hbm>>
      tpu.enqueue_indirect_dma source(%dma_start3A_152 : memref<1015808x64xf32, #tpu.memory_space<hbm>>) target(%dma_start3A_146 : memref<128x64xf32, #tpu.memory_space<vmem>>) offsets(%dma_start3A_149 : memref<128xi32, #tpu.memory_space<vmem>>) semaphore(%arg8 : memref<!tpu.dma_semaphore, #tpu.memory_space<semaphore_mem>>) {add = true}
      %dma_start3A_153 = arith.constant 3 : i32
      %dma_start3A_154 = arith.constant 3 : i32
      %dma_start3A_155 = arith.constant 0 : i32
      %dma_start3A_156 = arith.constant 0 : i32
      %dma_start3A_157 = tpu.memref_slice %arg6[%dma_start3A_154, %dma_start3A_155, %dma_start3A_156] : memref<4x128x64xf32, #tpu.memory_space<vmem>> -> memref<1x128x64xf32, #tpu.memory_space<vmem>>
      %dma_start3A_158 = tpu.memref_squeeze %dma_start3A_157 : memref<1x128x64xf32, #tpu.memory_space<vmem>> -> memref<128x64xf32, #tpu.memory_space<vmem>>
      %dma_start3A_159 = arith.constant 0 : i32
      %dma_start3A_160 = tpu.memref_slice %arg5[%scan3A_116, %dma_start3A_153, %dma_start3A_159] : memref<50x4x128xi32, #tpu.memory_space<vmem>> -> memref<1x1x128xi32, #tpu.memory_space<vmem>>
      %dma_start3A_161 = tpu.memref_squeeze %dma_start3A_160 : memref<1x1x128xi32, #tpu.memory_space<vmem>> -> memref<128xi32, #tpu.memory_space<vmem>>
      %dma_start3A_162 = arith.constant 0 : i32
      %dma_start3A_163 = arith.constant 0 : i32
      %dma_start3A_164 = tpu.memref_slice %arg3[%dma_start3A_162, %dma_start3A_163] : memref<1015808x64xf32, #tpu.memory_space<hbm>> -> memref<1015808x64xf32, #tpu.memory_space<hbm>>
      tpu.enqueue_indirect_dma source(%dma_start3A_164 : memref<1015808x64xf32, #tpu.memory_space<hbm>>) target(%dma_start3A_158 : memref<128x64xf32, #tpu.memory_space<vmem>>) offsets(%dma_start3A_161 : memref<128xi32, #tpu.memory_space<vmem>>) semaphore(%arg8 : memref<!tpu.dma_semaphore, #tpu.memory_space<semaphore_mem>>) {add = true}
    }
    %scan3A_109 = arith.constant 49 : i32
    %scan3A_110 = arith.constant 0 : i32
    %scan3A_111 = arith.constant 0 : i32
    %scan3A_112 = arith.constant 196 : i32
    %scan3A_113 = arith.addi %scan3A_111, %scan3A_112 : i32
    %scan3A_114 = arith.constant 1 : i32
    scf.for %scan3A_116 = %scan3A_111 to %scan3A_113 step %scan3A_114  : i32 {
      %dma_wait3A_117 = arith.constant 0 : i32
      %dma_wait3A_118 = arith.constant 0 : i32
      %dma_wait3A_119 = arith.constant 0 : i32
      %dma_wait3A_120 = arith.constant 0 : i32
      %dma_wait3A_121 = arith.constant 0 : i32
      %dma_wait3A_122 = tpu.memref_slice %arg6[%dma_wait3A_119, %dma_wait3A_120, %dma_wait3A_121] : memref<4x128x64xf32, #tpu.memory_space<vmem>> -> memref<1x128x64xf32, #tpu.memory_space<vmem>>
      %dma_wait3A_123 = tpu.memref_squeeze %dma_wait3A_122 : memref<1x128x64xf32, #tpu.memory_space<vmem>> -> memref<128x64xf32, #tpu.memory_space<vmem>>
      %dma_wait3A_124 = arith.constant 0 : i32
      %dma_wait3A_125 = tpu.memref_slice %arg5[%dma_wait3A_117, %dma_wait3A_118, %dma_wait3A_124] : memref<50x4x128xi32, #tpu.memory_space<vmem>> -> memref<1x1x128xi32, #tpu.memory_space<vmem>>
      %dma_wait3A_126 = tpu.memref_squeeze %dma_wait3A_125 : memref<1x1x128xi32, #tpu.memory_space<vmem>> -> memref<128xi32, #tpu.memory_space<vmem>>
      %dma_wait3A_127 = arith.constant 0 : i32
      %dma_wait3A_128 = arith.constant 0 : i32
      %dma_wait3A_129 = tpu.memref_slice %arg3[%dma_wait3A_127, %dma_wait3A_128] : memref<1015808x64xf32, #tpu.memory_space<hbm>> -> memref<1015808x64xf32, #tpu.memory_space<hbm>>
      tpu.wait_indirect_dma semaphore(%arg8 : memref<!tpu.dma_semaphore, #tpu.memory_space<semaphore_mem>>) src(%dma_wait3A_129 : memref<1015808x64xf32, #tpu.memory_space<hbm>>) dst(%dma_wait3A_123 : memref<128x64xf32, #tpu.memory_space<vmem>>)
    }
    %scan3A_115 = arith.constant 196 : i32
    "tpu.region"() ({
      %run_scoped3A = tpu.sem_alloc : memref<!tpu.dma_semaphore, #tpu.memory_space<semaphore_mem>>
      %dma_start3A_116 = arith.constant 0 : i32
      %dma_start3A_117 = arith.constant 0 : i32
      %dma_start3A_118 = tpu.memref_slice %arg4[%mul3A_2, %dma_start3A_116, %dma_start3A_117] : memref<128x128x64xf32, #tpu.memory_space<hbm>> -> memref<4x128x64xf32, #tpu.memory_space<hbm>>
      %dma_start3A_119 = arith.constant 0 : i32
      %dma_start3A_120 = arith.constant 0 : i32
      %dma_start3A_121 = tpu.memref_slice %arg4[%mul3A_2, %dma_start3A_119, %dma_start3A_120] : memref<128x128x64xf32, #tpu.memory_space<hbm>> -> memref<4x128x64xf32, #tpu.memory_space<hbm>>
      tpu.enqueue_dma source(%arg6 : memref<4x128x64xf32, #tpu.memory_space<vmem>>) target(%dma_start3A_121 : memref<4x128x64xf32, #tpu.memory_space<hbm>>) target_semaphore(%run_scoped3A : memref<!tpu.dma_semaphore, #tpu.memory_space<semaphore_mem>>)
      %dma_wait3A_122 = arith.constant 0 : i32
      %dma_wait3A_123 = arith.constant 0 : i32
      %dma_wait3A_124 = tpu.memref_slice %arg4[%mul3A_2, %dma_wait3A_122, %dma_wait3A_123] : memref<128x128x64xf32, #tpu.memory_space<hbm>> -> memref<4x128x64xf32, #tpu.memory_space<hbm>>
      %dma_wait3A_125 = arith.constant 0 : i32
      %dma_wait3A_126 = arith.constant 0 : i32
      %dma_wait3A_127 = tpu.memref_slice %arg4[%mul3A_2, %dma_wait3A_125, %dma_wait3A_126] : memref<128x128x64xf32, #tpu.memory_space<hbm>> -> memref<4x128x64xf32, #tpu.memory_space<hbm>>
      tpu.wait_dma2 semaphore(%run_scoped3A : memref<!tpu.dma_semaphore, #tpu.memory_space<semaphore_mem>>) src(%arg6 : memref<4x128x64xf32, #tpu.memory_space<vmem>>) dst(%dma_wait3A_127 : memref<4x128x64xf32, #tpu.memory_space<hbm>>)
      tpu.yield
    }) : () -> ()
    return
  }
}

module attributes {stable_mosaic.version = 14 : i64} {
  func.func @_detile_body(%arg0: i32, %arg1: memref<64x32768xf32, #tpu.memory_space<vmem>>, %arg2: memref<16384x128xf32, #tpu.memory_space<vmem>>) attributes {dimension_semantics = [#tpu.dimension_semantics<arbitrary>], iteration_bounds = array<i64: 31>, scalar_prefetch = 0 : i64, scratch_operands = 0 : i64, tpu.core_type = #tpu.core_type<tc>, window_params = [{transform_indices = @transform_0, window_bounds = array<i64: 64, 32768>}, {transform_indices = @transform_1, window_bounds = array<i64: 16384, 128>}]} {
    %get3A = arith.constant 0 : index
    %get3A_0 = arith.constant 0 : index
    %get3A_1 = vector.load %arg1[%get3A, %get3A_0] : memref<64x32768xf32, #tpu.memory_space<vmem>>, vector<64x32768xf32>
    %slice3A = vector.extract_strided_slice %get3A_1 {offsets = [0, 0], sizes = [64, 16384], strides = [1, 1]} : vector<64x32768xf32> to vector<64x16384xf32>
    %slice3A_2 = vector.extract_strided_slice %get3A_1 {offsets = [0, 16384], sizes = [64, 16384], strides = [1, 1]} : vector<64x32768xf32> to vector<64x16384xf32>
    %concatenate3A = tpu.concatenate %slice3A, %slice3A_2 in 0 : vector<64x16384xf32>, vector<64x16384xf32> -> vector<128x16384xf32>
    %transpose3A = tpu.transpose %concatenate3A, [1, 0] : vector<128x16384xf32> -> vector<16384x128xf32>
    %swap3A = arith.constant 0 : index
    %swap3A_3 = arith.constant 0 : index
    %swap3A_4 = vector.load %arg2[%swap3A, %swap3A_3] : memref<16384x128xf32, #tpu.memory_space<vmem>>, vector<16384x128xf32>
    tpu.vector_store %arg2[%swap3A, %swap3A_3], %transpose3A {strides = array<i32>} : memref<16384x128xf32, #tpu.memory_space<vmem>>, vector<16384x128xf32>,
    return
  }
  func.func @transform_0(%arg0: i32) -> (i32, i32) {
    %c0_i32 = arith.constant 0 : i32
    %c0_i32_0 = arith.constant 0 : i32
    return %c0_i32, %arg0 : i32, i32
  }
  func.func @transform_1(%arg0: i32) -> (i32, i32) {
    %c0_i32 = arith.constant 0 : i32
    %c0_i32_0 = arith.constant 0 : i32
    return %arg0, %c0_i32 : i32, i32
  }
}

module attributes {stable_mosaic.version = 14 : i64} {
  func.func @_mlp_body(%arg0: memref<16384x64xf32, #tpu.memory_space<vmem>>, %arg1: memref<64x64xf32, #tpu.memory_space<vmem>>, %arg2: memref<1x64xf32, #tpu.memory_space<vmem>>, %arg3: memref<1x64xf32, #tpu.memory_space<vmem>>, %arg4: memref<1x1xf32, #tpu.memory_space<vmem>>, %arg5: memref<16384x1xf32, #tpu.memory_space<vmem>>) attributes {dimension_semantics = [], scalar_prefetch = 0 : i64, scratch_operands = 0 : i64, tpu.core_type = #tpu.core_type<tc>} {
    %get3A = arith.constant 0 : index
    %get3A_0 = arith.constant 0 : index
    %get3A_1 = vector.load %arg0[%get3A, %get3A_0] : memref<16384x64xf32, #tpu.memory_space<vmem>>, vector<16384x64xf32>
    %mul3A = arith.constant 2.000000e-02 : f32
    %mul3A_2 = vector.broadcast %mul3A : f32 to vector<16384x64xf32>
    %mul3A_3 = arith.mulf %get3A_1, %mul3A_2 : vector<16384x64xf32>
    %get3A_4 = arith.constant 0 : index
    %get3A_5 = arith.constant 0 : index
    %get3A_6 = vector.load %arg1[%get3A_4, %get3A_5] : memref<64x64xf32, #tpu.memory_space<vmem>>, vector<64x64xf32>
    %dot_general3A = arith.constant dense<0.000000e+00> : vector<16384x64xf32>
    %dot_general3A_7 = tpu.matmul %mul3A_3, %get3A_6, %dot_general3A {dimension_numbers = #tpu.dot_dimension_numbers<[1], [0], [0], [1], [0, 0, 1, 1], [], []>, transpose_lhs_hint = false} : vector<16384x64xf32>, vector<64x64xf32>, vector<16384x64xf32> -> vector<16384x64xf32>
    %get3A_8 = arith.constant 0 : index
    %get3A_9 = arith.constant 0 : index
    %get3A_10 = vector.load %arg2[%get3A_8, %get3A_9] : memref<1x64xf32, #tpu.memory_space<vmem>>, vector<1x64xf32>
    %add3A = vector.broadcast %get3A_10 : vector<1x64xf32> to vector<16384x64xf32>
    %add3A_11 = arith.addf %dot_general3A_7, %add3A : vector<16384x64xf32>
    %max3A = arith.constant 0.000000e+00 : f32
    %max3A_12 = vector.broadcast %max3A : f32 to vector<16384x64xf32>
    %max3A_13 = arith.maximumf %add3A_11, %max3A_12 : vector<16384x64xf32>
    %get3A_14 = arith.constant 0 : index
    %get3A_15 = arith.constant 0 : index
    %get3A_16 = vector.load %arg3[%get3A_14, %get3A_15] : memref<1x64xf32, #tpu.memory_space<vmem>>, vector<1x64xf32>
    %mul3A_17 = vector.broadcast %get3A_16 : vector<1x64xf32> to vector<16384x64xf32>
    %mul3A_18 = arith.mulf %max3A_13, %mul3A_17 : vector<16384x64xf32>
    %reduce_sum3A = arith.constant dense<0.000000e+00> : vector<16384xf32>
    %reduce_sum3A_19 = vector.multi_reduction <add>, %mul3A_18, %reduce_sum3A [1] : vector<16384x64xf32> to vector<16384xf32>
    %broadcast_in_dim3A = vector.shape_cast %reduce_sum3A_19 : vector<16384xf32> to vector<16384x1xf32>
    %get3A_20 = arith.constant 0 : index
    %get3A_21 = arith.constant 0 : index
    %get3A_22 = vector.load %arg4[%get3A_20, %get3A_21] : memref<1x1xf32, #tpu.memory_space<vmem>>, vector<1x1xf32>
    %get3A_23 = vector.extract %get3A_22[0, 0] : f32 from vector<1x1xf32>
    %add3A_24 = vector.broadcast %get3A_23 : f32 to vector<16384x1xf32>
    %add3A_25 = arith.addf %broadcast_in_dim3A, %add3A_24 : vector<16384x1xf32>
    %neg3A = arith.constant 0.000000e+00 : f32
    %neg3A_26 = vector.broadcast %neg3A : f32 to vector<16384x1xf32>
    %neg3A_27 = arith.subf %neg3A_26, %add3A_25 : vector<16384x1xf32>
    %exp3A = math.exp %neg3A_27 : vector<16384x1xf32>
    %add3A_28 = arith.constant 1.000000e+00 : f32
    %add3A_29 = vector.broadcast %add3A_28 : f32 to vector<16384x1xf32>
    %add3A_30 = arith.addf %add3A_29, %exp3A : vector<16384x1xf32>
    %div3A = arith.constant 1.000000e+00 : f32
    %div3A_31 = vector.broadcast %div3A : f32 to vector<16384x1xf32>
    %div3A_32 = arith.divf %div3A_31, %add3A_30 : vector<16384x1xf32>
    %swap3A = arith.constant 0 : index
    %swap3A_33 = arith.constant 0 : index
    %swap3A_34 = vector.load %arg5[%swap3A, %swap3A_33] : memref<16384x1xf32, #tpu.memory_space<vmem>>, vector<16384x1xf32>
    tpu.vector_store %arg5[%swap3A, %swap3A_33], %div3A_32 {strides = array<i32>} : memref<16384x1xf32, #tpu.memory_space<vmem>>, vector<16384x1xf32>,
    return
  }
}

</mosaic_0001>

<sc_bundles>
// kernel: kernel.5.cloned.1.call-start
scs
__scs_entry_jumppad:
0x0: {  	(pc) =	sbr.rel $0x88, $3  }
0x1: {  	(tag) =	ssettag $0x0;
	lr =	simm.s32 $0x1  }
0x2: {  	[smem:$0x3F9B] =	sst lr;
	_ =	strace $0xD0000000  }
0x3: {  	_ = 	snop  }
0x4: {  	_ = 	snop  }
0x5: {  	_ = 	snop  }
0x6: {  	_ = 	snop  }
0x7: {  	_ = 	snop  }
__scs_overlays_trampoline_lowered:
0x8: {  	[smem:$0x3FAA] =	sst s0  }
0x9: {  	[smem:$0x3FAB] =	sst s1  }
0xa: {  	[smem:$0x3FAC] =	sst s2  }
0xb: {  	[smem:$0x3FAD] =	sst s3  }
0xc: {  	[smem:$0x3FAE] =	sst s4  }
0xd: {  	[smem:$0x3FAF] =	sst s5  }
0xe: {  	[smem:$0x3FB0] =	sst s6  }
0xf: {  	[smem:$0x3FB1] =	sst s7  }
0x10: {  	[smem:$0x3FB2] =	sst s8  }
0x11: {  	[smem:$0x3FB3] =	sst s9;
	s0 =	simm.s32 @!p0 $0x0  }
0x12: {  	s1 =	sld [smem:$0x3F99];
	s0 =	simm.s32 @p0 $0x1  }
0x13: {  	[smem:$0x3FB4] =	sst s0;
	s0 =	simm.s32 @!p1 $0x0  }
0x14: {  	s2 =	sld [smem:$0x3F98];
	s0 =	simm.s32 @p1 $0x1  }
0x15: {  	[smem:$0x3FB5] =	sst s0;
	s0 =	simm.s32 @!p2 $0x0  }
0x16: {  	s3 =	sld [smem:$0x3FDB];
	s0 =	simm.s32 @p2 $0x1  }
0x17: {  	s4 =	simm.s32 $0x1BF5;
	[smem:$0x3FB7] =	sst s0  }
0x18: {  	s0 =	sld [smem:$0x3F9A];
	_ =	swait.ge [sflag:s4], $0x0  }
0x19: {  	s7 =	sld [smem:$0x3F9B]  }
0x1a: {  	s8 =	sadd.s32 $0xFFFFE003, lr  }
0x1b: {  	s9 =	sadd.s32 $0xFFFFFEF7, lr;
	s5 =	simm.s32 $0xFFFFFFFF;
	p2 =	slt.u32 s8, $0xFFFFF086  }
0x1c: {  	p1 =	slt.u32 s9, $0xF7A;
	s5 =	simm.s32 @!p2 $0x0  }
0x1d: {  	s5 =	simm.s32 @p1 $0x1;
	p0 =	seq.s32 s7, s2  }
0x1e: {  	s7 =	smul.u32 @!p0 $0xF7A, s2;
	p2 =	seq.s32 @!p0 s5, $0x0  }
0x1f: {  	s9 =	smul.u32 $0xF7A, s1;
	s8 =	simm.s32 @!p0 $0x1BF5;
	p2 =	por !p2, p0  }
0x20: {  	[sflag:s8] =	ssyncset.s32 @!p0 $0xFFFFF086;
	s6 =	sadd.s32 @!p0 s3, s7;
	s7 =	simm.s32 @!p0 $0x108  }
0x21: {  	s3 =	sadd.s32 s3, s9;
	s6 =	sadd.s32 @!p0 $0x88, s6;
	s7 =	simm.s32 @p2 $0x1082  }
0x22: {  	[simem:s7], [sflag:s8] =	dma.local @!p0 [hbm:s6], $0xF7A  }
0x23: {  	s9 =	sor.u32 $0xD0000000, s2;
	s6 =	simm.s32 $0x108;
	_ =	swait.ge @!p0 [sflag:s8], $0x0  }
0x24: {  	s3 =	sadd.s32 $0x88, s3;
	s6 =	simm.s32 @!p1 $0x1082;
	[sflag:s4] =	ssyncset.s32 $0xFFFFF086  }
0x25: {  	[simem:s6], [sflag:s4] =	dma.local [hbm:s3], $0xF7A  }
0x26: {  	[smem:$0x3F9B] =	sst s1;
	(tag) =	ssettag s2;
	_ =	strace s9  }
0x27: {  	s1 =	sld [smem:$0x3FAB]  }
0x28: {  	s2 =	sld [smem:$0x3FAC]  }
0x29: {  	s4 =	sld [smem:$0x3FAE]  }
0x2a: {  	p0 =	seq.s32 s5, $0x0;
	s5 =	sld [smem:$0x3FAF]  }
0x2b: {  	s6 =	sld [smem:$0x3FB0]  }
0x2c: {  	s7 =	sld [smem:$0x3FB1]  }
0x2d: {  	s3 =	simm.s32 $0x108;
	s8 =	sld [smem:$0x3FB2]  }
0x2e: {  	s3 =	simm.s32 @!p0 $0x1082;
	s9 =	sld [smem:$0x3FB3]  }
0x2f: {  	lr =	sadd.s32 s0, s3;
	s0 =	sld [smem:$0x3FAA]  }
0x30: {  	s3 =	sld [smem:$0x3FAD]  }
0x31: {  	[smem:$0x3FB6] =	sst s10  }
0x32: {  	s10 =	sld [smem:$0x3FB4];
	_ =	sdelay $0x3  }
0x33: {  	p0 =	seq.s32 s10, $0x1;
	s10 =	sld [smem:$0x3FB6];
	_ =	sdelay $0x3  }
0x34: {  	[smem:$0x3FB6] =	sst s10  }
0x35: {  	s10 =	sld [smem:$0x3FB5];
	_ =	sdelay $0x3  }
0x36: {  	p1 =	seq.s32 s10, $0x1;
	s10 =	sld [smem:$0x3FB6];
	_ =	sdelay $0x3  }
0x37: {  	[smem:$0x3FB6] =	sst s10  }
0x38: {  	s10 =	sld [smem:$0x3FB7]  }
0x39: {  	_ = 	snop;
	(pc) =	sbr.ind lr, $3  }
0x3a: {  	_ = 	snop  }
0x3b: {  	_ = 	snop  }
0x3c: {  	p2 =	seq.s32 s10, $0x1;
	s10 =	sld [smem:$0x3FB6]  }
0x3d: {  	_ =	shalt  }
0x3e: {  	_ =	shalt  }
0x3f: {  	_ =	shalt  }
0x40: {  	_ =	shalt  }
0x41: {  	_ =	shalt  }
0x42: {  	_ =	shalt  }
0x43: {  	_ =	shalt  }
0x44: {  	_ =	shalt  }
0x45: {  	_ =	shalt  }
0x46: {  	_ =	shalt  }
0x47: {  	_ =	shalt  }
0x48: {  	_ =	shalt  }
0x49: {  	_ =	shalt  }
0x4a: {  	_ =	shalt  }
0x4b: {  	_ =	shalt  }
0x4c: {  	_ =	shalt  }
0x4d: {  	_ =	shalt  }
0x4e: {  	_ =	shalt  }
0x4f: {  	_ =	shalt  }
0x50: {  	_ =	shalt  }
0x51: {  	_ =	shalt  }
0x52: {  	_ =	shalt  }
0x53: {  	_ =	shalt  }
0x54: {  	_ =	shalt  }
0x55: {  	_ =	shalt  }
0x56: {  	_ =	shalt  }
0x57: {  	_ =	shalt  }
0x58: {  	_ =	shalt  }
0x59: {  	_ =	shalt  }
0x5a: {  	_ =	shalt  }
0x5b: {  	_ =	shalt  }
0x5c: {  	_ =	shalt  }
0x5d: {  	_ =	shalt  }
0x5e: {  	_ =	shalt  }
0x5f: {  	_ =	shalt  }
0x60: {  	_ =	shalt  }
0x61: {  	_ =	shalt  }
0x62: {  	_ =	shalt  }
0x63: {  	_ =	shalt  }
0x64: {  	_ =	shalt  }
0x65: {  	_ =	shalt  }
0x66: {  	_ =	shalt  }
0x67: {  	_ =	shalt  }
0x68: {  	_ =	shalt  }
0x69: {  	_ =	shalt  }
0x6a: {  	_ =	shalt  }
0x6b: {  	_ =	shalt  }
0x6c: {  	_ =	shalt  }
0x6d: {  	_ =	shalt  }
0x6e: {  	_ =	shalt  }
0x6f: {  	_ =	shalt  }
0x70: {  	_ =	shalt  }
0x71: {  	_ =	shalt  }
0x72: {  	_ =	shalt  }
0x73: {  	_ =	shalt  }
0x74: {  	_ =	shalt  }
0x75: {  	_ =	shalt  }
0x76: {  	_ =	shalt  }
0x77: {  	_ =	shalt  }
0x78: {  	_ =	shalt  }
0x79: {  	_ =	shalt  }
0x7a: {  	_ =	shalt  }
0x7b: {  	_ =	shalt  }
0x7c: {  	_ =	shalt  }
0x7d: {  	_ =	shalt  }
0x7e: {  	_ =	shalt  }
0x7f: {  	_ =	shalt  }
0x80: {  	_ =	shalt  }
0x81: {  	_ =	shalt  }
0x82: {  	_ =	shalt  }
0x83: {  	_ =	shalt  }
0x84: {  	_ =	shalt  }
0x85: {  	_ =	shalt  }
0x86: {  	_ =	shalt  }
0x87: {  	_ =	shalt  }
.Lfunc_end0:
.L_simem_size_0:
called_computation_lowered:
.L_overlay_start_0:
0x88: {  	s2 =	sld [smem:$0x3FD9]  }
0x89: {  	s3 =	sld [smem:$0x3FFE];
	_ =	sdelay $0x1  }
0x8a: {  	s1 =	srdreg.scid  }
0x8b: {  	s0 =	sand.u32 $0x1, s1  }
0x8c: {  	s16 =	sshll.u32 s0, $0xA;
	s2 =	sadd.s32 s3, s2  }
0x8d: {  	s2 =	sadd.s32 s2, s16  }
0x8e: {  	[smem:$0x3FC2] =	sst s2  }
0x8f: {  	_ = 	snop  }
0x90: {  	(tm) =	ssettm $0x1  }
0x91: {  	s17 =	sld [smem:$0x3FFB];
	_ =	sdelay $0x3  }
0x92: {  	_ =	strace s17  }
0x93: {  	s2 =	sld [smem:$0x3FFC];
	_ =	sdelay $0x3  }
0x94: {  	_ =	strace s2  }
0x95: {  	s2 =	sld [smem:$0x3FFD];
	_ =	sdelay $0x3  }
0x96: {  	_ =	strace s2  }
0x97: {  	_ =	strace $0x8FFFFFFF  }
0x98: {  	s18 =	sld [smem:$0x3FDB];
	_ =	sdelay $0x1  }
0x99: {  	s19 =	simm.s32 $_scs_section_size  }
0x9a: {  	s4 =	simm.s32 $_size__tile_overlayer_lowered;
	s5 =	simm.s32 $_tile_overlayer_lowered  }
0x9b: {  	s22 =	simm.s32 $0x1BFF;
	s21 =	sshll.u32 s5, $0x1;
	s2 =	sadd.s32 s19, s18  }
0x9c: {  	s6 =	simm.s32 $0x0;
	s20 =	sshll.u32 s4, $0x1;
	s4 =	sadd.s32 s21, s2  }
0x9d: {  	[timem:s6], [sflag:s22] =	dma.local [hbm:s4], s20  }
0x9e: {  	_ =	swait.ge [sflag:s22], s20  }
0x9f: {  	s3 =	ssub.s32 $0x0, s20;
	[sflag:s22] =	ssyncset.done $0x0  }
0xa0: {  	[sflag:s22] =	ssyncadd.s32 s3;
	_ =	sdelay $0x1  }
0xa1: {  	s23 =	simm.s32 $0x1B8B  }
0xa2: {  	_ =	swait.ge [sflag:s23], $0x1  }
0xa3: {  	[sflag:s23] =	ssyncset.done $0x0  }
0xa4: {  	s25 =	simm.s32 $0x1B8E;
	s24 =	sld [smem:$0x3FFE];
	[sflag:s23] =	ssyncadd.s32 $0xFFFFFFFF  }
0xa5: {  	s26 =	simm.s32 $execute0_lowered;
	[smem:$0x3FD2] =	sst s25  }
0xa6: {  	s4 =	sshll.u32 s26, $0x1;
	_ =	strace $0x80000046;
	[dreg:$0x1] =	wrdreg $0xFFFFFFFF  }
0xa7: {  	s28 =	simm.s32 $_size_execute0_lowered;
	s2 =	sadd.s32 s2, s4;
	[dreg:$0x0] =	wrdreg $0x0  }
0xa8: {  	s4 =	sshll.u32 s28, $0x1;
	[dreg:$0x2] =	wrdreg s2  }
0xa9: {  	[dreg:$0x3] =	wrdreg s4  }
0xaa: {  	[dreg:$0x4] =	wrdreg $0xC0  }
0xab: {  	_ =	task [dreg:s6], $0x5FFFF  }
0xac: {  	[dreg:$0x1] =	wrdreg $0xFFFFFFFF  }
0xad: {  	[dreg:$0x0] =	wrdreg $0x60  }
0xae: {  	[dreg:$0x2] =	wrdreg s24  }
0xaf: {  	[dreg:$0x3] =	wrdreg $0x9  }
0xb0: {  	_ =	task.clear_ibuf [dreg:s6], $0x4FFFF;
	_ =	strace $0x90000046  }
0xb1: {  	s29 =	simm.s32 $0x9;
	_ =	strace $0x80000048  }
0xb2: {  	_ =	swait.ge [sflag:s29], $0x1  }
0xb3: {  	[sflag:s29] =	ssyncadd.s32 $0xFFFFFFFF  }
0xb4: {  	_ =	strace $0x90000048  }
0xb5: {  	_ =	sfence  }
0xb6: {  	s30 =	sld [smem:$0x0];
	_ =	sdelay $0x2  }
0xb7: {  	s31 =	sshll.u32 s1, $0xD;
	s1 =	sshrl.u32 s1, $0x2  }
0xb8: {  	s3 =	sand.u32 $0x4000, s31;
	s1 =	sadd.s32 s1, s30  }
0xb9: {  	s0 =	sor.u32 s3, s0;
	s1 =	sshll.u32 s1, $0x11  }
0xba: {  	s0 =	sor.u32 s1, s0  }
0xbb: {  	s0 =	sadd.s32 $0x8F2B, s0  }
0xbc: {  	[sflag:s0] =	ssyncadd.remote.s32 $0x1  }
0xbd: {  	_ =	sfence.sel $0xFFFF  }
0xbe: {  	[dreg:$0x0] =	wrdreg $0xFFFFFFFF;
	(pc) =	sbr.abs _section_cstart, $3  }
0xbf: {  	[dreg:$0x1] =	wrdreg $0xFFFFFFFF  }
0xc0: {  	_ =	task.clear_ibuf [dreg:s6], $0x2FFFF;
	_ =	strace $0x9FFFFFFF  }
0xc1: {  	(tm) =	ssettm $0x7FFFFFFF  }
tec
execute0_lowered:
.L_overlay_start_1:
0x0: {  	(tag) =	ssettag $0x1  }
0x1: {  	s1 =	srdreg.scid;
	s0 =	stileid.u32  }
0x2: {  	s4 =	rddreg [dreg:$0x0];
	s2 =	simm.s32 $0x0;
	s9 =	simm.s32 $0x3  }
0x3: {  	s10 =	simm.s32 $0x80;
	s11 =	simm.s32 $0x6400;
	s12 =	simm.s32 $0x8400  }
0x4: {  	s13 =	simm.s32 $0x100;
	s14 =	simm.s32 $0xA400;
	s15 =	simm.s32 $0x180  }
0x5: {  	s16 =	simm.s32 $0xC400;
	s17 =	simm.s32 $0x1;
	s18 =	simm.s32 $0x2  }
0x6: {  	s19 =	simm.s32 $0x0;
	s3 =	sand.u32 $0x1, s1;
	s1 =	rddreg [dreg:$0x1]  }
0x7: {  	s5 =	sshll.u32 s0, $0x3;
	[smem:$0x7FF] =	sst s2;
	s6 =	sshll.u32 s3, $0x2  }
0x8: {  	_ =	strace $0x80000047;
	s7 =	ssub.s32 $0x2, s3;
	s5 =	sor.u32 s6, s5  }
0x9: {  	s3 =	sadd.s32 $0xC00, s4;
	s8 =	sshrl.u32 s7, $0x1;
	s6 =	sshll.u32 s5, $0x4  }
0xa: {  	s5 =	sshll.u32 s5, $0xA;
	s7 =	ssub.s32 s7, s8;
	s6 =	sadd.s32 s6, s4  }
0xb: {  	s8 =	simm.s32 $0x4000;
	s5 =	sadd.s32 s5, s4;
	s4 =	sadd.s32 $0x7C0C00, s6  }
0xc: {  	s5 =	sadd.s32 $0x7D9C00, s5;
	s6 =	smax.u32 s7, $0x1;
	s7 =	simm.s32 $0x200  }
.LBB2_1:
0xd: {  	[tilespmem:s2], [sflag:$0x3] =	stream.strided.gather [hbm4b:s4+s7], $0x6400, s8, s7, $0x38;
	[tilespmem:$0xE400] =	vst v63  }
0xe: {  	_ =	swait.ge [sflag:s9], $0x6400  }
0xf: {  	[sflag:s9] =	ssyncset.done $0x0  }
0x10: {  	[sflag:s9] =	ssyncadd.s32 $0xFFFF9C00  }
0x11: {  	[tilespmem:s11], [sflag:$0x1] =	stream.indirect.gather [hbm4b:s3+s10], $0x40, s2, s10, $0xb8;
	[tilespmem:$0xE400] =	vst v63  }
0x12: {  	_ = 	snop  }
0x13: {  	[tilespmem:s12], [sflag:$0x1] =	stream.indirect.gather [hbm4b:s3+s10], $0x40, s10, s10, $0xb8;
	[tilespmem:$0xE400] =	vst v63  }
0x14: {  	_ = 	snop  }
0x15: {  	[tilespmem:s14], [sflag:$0x1] =	stream.indirect.gather [hbm4b:s3+s10], $0x40, s13, s10, $0xb8;
	[tilespmem:$0xE400] =	vst v63  }
0x16: {  	_ = 	snop  }
0x17: {  	[tilespmem:s16], [sflag:$0x1] =	stream.indirect.gather [hbm4b:s3+s10], $0x40, s15, s10, $0xb8;
	[tilespmem:$0xE400] =	vst v63  }
0x18: {  	_ =	swait.ge [sflag:s17], $0x2000  }
0x19: {  	[sflag:s17] =	ssyncset.done $0x0  }
0x1a: {  	[sflag:s17] =	ssyncadd.s32 $0xFFFFE000  }
0x1b: {  	_ =	swait.ge [sflag:s17], $0x2000  }
0x1c: {  	[sflag:s17] =	ssyncset.done $0x0  }
0x1d: {  	[sflag:s17] =	ssyncadd.s32 $0xFFFFE000  }
0x1e: {  	_ =	swait.ge [sflag:s17], $0x2000  }
0x1f: {  	[sflag:s17] =	ssyncset.done $0x0  }
0x20: {  	[sflag:s17] =	ssyncadd.s32 $0xFFFFE000  }
0x21: {  	_ =	swait.ge [sflag:s17], $0x2000  }
0x22: {  	[sflag:s17] =	ssyncset.done $0x0  }
0x23: {  	s20 =	simm.s32 $0x200;
	[sflag:s17] =	ssyncadd.s32 $0xFFFFE000  }
0x24: {  	[tilespmem:s11], [sflag:$0x2] =	stream.indirect.gather.add.f32 [hbm:s3], $0x40, s20, s10, $0xb8;
	[tilespmem:$0xE400] =	vst v63  }
0x25: {  	s30 =	simm.s32 $0x280;
	s31 =	simm.s32 $0x300  }
0x26: {  	[tilespmem:s12], [sflag:$0x2] =	stream.indirect.gather.add.f32 [hbm:s3], $0x40, s30, s10, $0xb8;
	[tilespmem:$0xE400] =	vst v63  }
0x27: {  	s21 =	simm.s32 $0xFFFE8800;
	s22 =	simm.s32 $0x380;
	s20 =	simm.s32 $0xFFFFA000  }
0x28: {  	[tilespmem:s14], [sflag:$0x2] =	stream.indirect.gather.add.f32 [hbm:s3], $0x40, s31, s10, $0xb8;
	[tilespmem:$0xE400] =	vst v63  }
.LBB2_2:
0x29: {  	[tilespmem:s16], [sflag:$0x2] =	stream.indirect.gather.add.f32 [hbm:s3], $0x40, s22, s10, $0xb8;
	[tilespmem:$0xE400] =	vst v63  }
0x2a: {  	s22 =	smov.u32 s21;
	s24 =	sadd.s32 $0x800, s21  }
0x2b: {  	p0 =	sne.s32 s21, $0xFFFFF800;
	s23 =	sshra.s32 s22, $0x2;
	s22 =	sadd.s32 $0x6400, s20  }
0x2c: {  	[tilespmem:s11], [sflag:$0x2] =	stream.indirect.gather.add.f32 [hbm:s3], $0x40, s22, s10, $0xb8;
	[tilespmem:$0xE400] =	vst v63  }
.Ltmp0:
0x2d: {  	s21 =	sadd.s32 $0x6480, s20;
	(pc) =	sbr.rel @p0 .LBB2_2-.Ltmp0, $4  }
0x2e: {  	[tilespmem:s12], [sflag:$0x2] =	stream.indirect.gather.add.f32 [hbm:s3], $0x40, s21, s10, $0xb8;
	[tilespmem:$0xE400] =	vst v63  }
0x2f: {  	s21 =	sadd.s32 $0x6500, s20  }
0x30: {  	[tilespmem:s14], [sflag:$0x2] =	stream.indirect.gather.add.f32 [hbm:s3], $0x40, s21, s10, $0xb8;
	[tilespmem:$0xE400] =	vst v63  }
0x31: {  	s22 =	sadd.s32 $0x6580, s20;
	s20 =	smov.u32 s23;
	s21 =	smov.u32 s24  }
0x32: {  	[tilespmem:s16], [sflag:$0x2] =	stream.indirect.gather.add.f32 [hbm:s3], $0x40, s22, s10, $0xb8;
	[tilespmem:$0xE400] =	vst v63  }
0x33: {  	s21 =	sadd.s32 $0x6400, s20  }
0x34: {  	[tilespmem:s11], [sflag:$0x2] =	stream.indirect.gather.add.f32 [hbm:s3], $0x40, s21, s10, $0xb8;
	[tilespmem:$0xE400] =	vst v63  }
0x35: {  	s29 =	sadd.s32 $0x6480, s20  }
0x36: {  	[tilespmem:s12], [sflag:$0x2] =	stream.indirect.gather.add.f32 [hbm:s3], $0x40, s29, s10, $0xb8;
	[tilespmem:$0xE400] =	vst v63  }
0x37: {  	s30 =	sadd.s32 $0x6500, s20  }
0x38: {  	[tilespmem:s14], [sflag:$0x2] =	stream.indirect.gather.add.f32 [hbm:s3], $0x40, s30, s10, $0xb8;
	[tilespmem:$0xE400] =	vst v63  }
0x39: {  	s31 =	sadd.s32 $0x6580, s20  }
0x3a: {  	[tilespmem:s16], [sflag:$0x2] =	stream.indirect.gather.add.f32 [hbm:s3], $0x40, s31, s10, $0xb8;
	[tilespmem:$0xE400] =	vst v63  }
0x3b: {  	_ =	swait.ge [sflag:s18], $0x2000  }
0x3c: {  	s20 =	simm.s32 $0xC3;
	[sflag:s18] =	ssyncset.done $0x0  }
.LBB2_4:
0x3d: {  	p0 =	sne.s32 s20, $0x1;
	s20 =	sadd.s32 $0xFFFFFFFF, s20;
	[sflag:s18] =	ssyncadd.s32 $0xFFFFE000  }
.Ltmp1:
0x3e: {  	(pc) =	sbr.rel @p0 .LBB2_4-.Ltmp1, $3  }
0x3f: {  	_ =	sdelay $0x1  }
0x40: {  	_ =	swait.ge [sflag:s18], $0x2000  }
0x41: {  	[sflag:s18] =	ssyncset.done $0x0  }
0x42: {  	s19 =	sadd.s32 $0x1, s19  }
0x43: {  	p0 =	sne.s32 s19, s6  }
.Ltmp2:
0x44: {  	[sflag:s18] =	ssyncadd.s32 $0xFFFFE000;
	(pc) =	sbr.rel @p0 .LBB2_1-.Ltmp2, $4  }
0x45: {  	[hbm4b:s5+s2] =	stream.linear.scatter [tilespmem:s11], [sflag:$0x3], $0x8000, $0x38;
	[tilespmem:$0xE400] =	vst v63  }
0x46: {  	_ =	swait.ge [sflag:s9], $0x8000  }
0x47: {  	[sflag:s9] =	ssyncset.done $0x0  }
0x48: {  	[sflag:s9] =	ssyncadd.s32 $0xFFFF8000  }
0x49: {  	_ =	sfence.sel $0x180000  }
0x4a: {  	[bflag:$0x0] =	sbarrier.arrive $0xFFFF  }
0x4b: {  	p0 =	sne.s32 s0, $0x0;
	_ =	strace $0x90000047  }
0x4c: {  	s0 =	sadd.s32 @!p0 $0x100000, s1;
	[bflag:$0x2] =	sbarrier.arrive $0xFFFF  }
0x4d: {  	[sflag:s0] =	ssyncadd.tile.s32 @!p0 $0x1;
	_ =	shalt  }
.Lfunc_end2:
_tile_overlayer_lowered:
.L_overlay_start_2:
0x4e: {  	(tag) =	ssettag $0x2  }
0x4f: {  	s0 =	rddreg [dreg:$0x0];
	s2 =	stileid.u32  }
0x50: {  	s1 =	rddreg [dreg:$0x1];
	p0 =	sne.s32 s2, $0x0  }
0x51: {  	s3 =	rddreg [dreg:$0x2];
	[bflag:$0x3] =	sbarrier.arrive $0xFFFF;
	s2 =	simm.s32 @!p0 $0x1C03  }
0x52: {  	[timem:s3], [sflag:s2] =	dma.local @!p0 [hbm:s0], s1  }
0x53: {  	s0 =	simm.s32 @!p0 $0x3  }
0x54: {  	_ =	swait.ge @!p0 [sflag:s0], s1  }
0x55: {  	s1 =	ssub.s32 @!p0 $0x0, s1;
	[sflag:s0] =	ssyncset.done @!p0 $0x0  }
0x56: {  	[sflag:s0] =	ssyncadd.s32 @!p0 s1  }
0x57: {  	[bflag:$0x3] =	sbarrier.arrive $0xFFFF  }
0x58: {  	_ =	shalt  }

</sc_bundles>
